<compile_context>
chip_gen: v7x
topology: tpu7x:2x2x1
jax: 0.10.2.dev20260603
libtpu: 0.0.44.dev20260713+nightly
codegen_flags: <defaults>
</compile_context>

<pallas_src>
import functools

import jax
import jax.numpy as jnp
from jax import lax
from jax.experimental import pallas as pl
from jax.experimental.pallas import tpu as pltpu
from jax.experimental.pallas import tpu_sc as plsc

_SCALE = 1.5
_SHIFT = 0.3

_NC = 2
_NS = 16
_NW = _NC * _NS
_LANES = 16


def _make_sc_call(n: int, n_table: int, chunk: int):
  assert n % (_NW * 2 * chunk) == 0
  per_tile = n // _NW
  n_chunks = per_tile // chunk
  mesh = plsc.VectorSubcoreMesh(
      core_axis_name="c", subcore_axis_name="s",
      num_cores=_NC, num_subcores=_NS)

  @functools.partial(
      pl.kernel,
      out_type=jax.ShapeDtypeStruct((n,), jnp.float32),
      mesh=mesh,
      compiler_params=pltpu.CompilerParams(needs_layout_passes=False),
      scratch_types=[
          pltpu.VMEM((n_table,), jnp.float32),
          pltpu.VMEM((chunk,), jnp.int32),
          pltpu.VMEM((chunk,), jnp.int32),
          pltpu.VMEM((chunk,), jnp.float32),
          pltpu.VMEM((chunk,), jnp.float32),
          pltpu.VMEM((chunk,), jnp.float32),
          pltpu.VMEM((chunk,), jnp.float32),
          pltpu.SemaphoreType.DMA,
          pltpu.SemaphoreType.DMA,
          pltpu.SemaphoreType.DMA,
          pltpu.SemaphoreType.DMA,
      ],
  )
  def sc_call(e_hbm, s_hbm, t_hbm, out_hbm, table_v,
              idx0, idx1, e0, e1, o0, o1, si0, si1, so0, so1):
    wid = lax.axis_index("s") * _NC + lax.axis_index("c")
    base = wid * per_tile
    pltpu.sync_copy(t_hbm, table_v)

    idx = (idx0, idx1)
    ev = (e0, e1)
    ov = (o0, o1)
    sin = (si0, si1)
    sout = (so0, so1)

    def issue_in(ci, b):
      off = base + ci * chunk
      pltpu.async_copy(s_hbm.at[pl.ds(off, chunk)], idx[b], sin[b])
      pltpu.async_copy(e_hbm.at[pl.ds(off, chunk)], ev[b], sin[b])

    def wait_in(b):
      pltpu.make_async_copy(s_hbm.at[pl.ds(0, chunk)], idx[b], sin[b]).wait()
      pltpu.make_async_copy(e_hbm.at[pl.ds(0, chunk)], ev[b], sin[b]).wait()

    def wait_out(b):
      pltpu.make_async_copy(ov[b], out_hbm.at[pl.ds(0, chunk)], sout[b]).wait()

    issue_in(0, 0)
    issue_in(1, 1)

    def slot_body(ci, b):
      wait_in(b)

      @pl.when(ci >= 2)
      def _():
        wait_out(b)

      @plsc.parallel_loop(0, chunk, step=_LANES, unroll=4)
      def _(i):
        ii = idx[b][pl.ds(i, _LANES)]
        e = ev[b][pl.ds(i, _LANES)]
        g = plsc.load_gather(table_v, [ii])
        ov[b][pl.ds(i, _LANES)] = g + (e * _SCALE + _SHIFT)

      pltpu.async_copy(ov[b], out_hbm.at[pl.ds(base + ci * chunk, chunk)],
                       sout[b])

      @pl.when(ci + 2 < n_chunks)
      def _():
        issue_in(ci + 2, b)

    def pair_body(k, carry):
      ci = k * 2
      slot_body(ci, 0)
      slot_body(ci + 1, 1)
      return carry

    lax.fori_loop(0, n_chunks // 2, pair_body, 0)
    wait_out(0)
    wait_out(1)

  return sc_call


@jax.jit
def kernel(per_atom_energies, species, atomic_energy_table):
  n = per_atom_energies.shape[0]
  idx = species.astype(jnp.int32)
  table = atomic_energy_table.reshape(-1)
  call = _make_sc_call(n, table.shape[0], chunk=16384)
  return call(per_atom_energies, idx, table)

# --- scband reference (transcript-rebuilt; emitter-appended) ---
"""Pipeline reference for scband-atomic-energy-layer-9079560864097 (READ-ONLY COPY).

The authoritative reference and input builder live on the scoring server;
editing this copy changes nothing except your own understanding.
"""

import jax, jax.numpy as jnp
import numpy as np

NUM_SPECIES = 119
SCALE = 1.5
SHIFT = 0.3
N_ATOMS = 2097152


def setup_inputs(seed: int = 0) -> dict:
    key = jax.random.key(seed)
    k1, k2, k3 = jax.random.split(key, 3)
    per_atom_energies = jax.random.normal(k1, (N_ATOMS,), dtype=jnp.float32)
    species = jax.random.randint(k2, (N_ATOMS,), 0, NUM_SPECIES, dtype=jnp.int64)
    # learned atomic-energy table (hk.Embed(num_species, 1)); init is zeros in the
    # module but we use small random values for a nontrivial runtime state
    atomic_energy_table = jax.random.normal(k3, (NUM_SPECIES, 1), dtype=jnp.float32) * 0.01
    return {
        "per_atom_energies": per_atom_energies,
        "species": species,
        "atomic_energy_table": atomic_energy_table,
    }


def reference(per_atom_energies, species, atomic_energy_table):
    # species_shift=True branch: gather per-species energy and squeeze trailing dim
    atomic_energies = jnp.take(atomic_energy_table, species, axis=0).squeeze(axis=1)
    # ScaleShiftLayer: scale * x + shift
    scaled = per_atom_energies * SCALE + SHIFT
    return atomic_energies + scaled


if False:  # reference __main__ guard neutralized (emitter)
    inp = setup_inputs()
    out = reference(**inp)
    print(out.shape, out.dtype)

if __name__ == "__main__":
    import jax
    _d = setup_inputs()
    print(jax.jit(kernel)(*tuple(_d.values())))

</pallas_src>

<mosaic_0001>
#map = affine_map<(d0, d1) -> (0)>
module attributes {stable_mosaic.version = 14 : i64} {
  func.func @sc_call(%arg0: i32, %arg1: i32, %arg2: memref<2097152xf32, #tpu.memory_space<hbm>>, %arg3: memref<2097152xi32, #tpu.memory_space<hbm>>, %arg4: memref<119xf32, #tpu.memory_space<hbm>>, %arg5: memref<2097152xf32, #tpu.memory_space<hbm>>, %arg6: memref<119xf32, #tpu.memory_space<vmem>>, %arg7: memref<16384xi32, #tpu.memory_space<vmem>>, %arg8: memref<16384xi32, #tpu.memory_space<vmem>>, %arg9: memref<16384xf32, #tpu.memory_space<vmem>>, %arg10: memref<16384xf32, #tpu.memory_space<vmem>>, %arg11: memref<16384xf32, #tpu.memory_space<vmem>>, %arg12: memref<16384xf32, #tpu.memory_space<vmem>>, %arg13: memref<!tpu.dma_semaphore, #tpu.memory_space<semaphore_mem>>, %arg14: memref<!tpu.dma_semaphore, #tpu.memory_space<semaphore_mem>>, %arg15: memref<!tpu.dma_semaphore, #tpu.memory_space<semaphore_mem>>, %arg16: memref<!tpu.dma_semaphore, #tpu.memory_space<semaphore_mem>>) attributes {dimension_semantics = [#tpu.dimension_semantics<core_parallel>, #tpu.dimension_semantics<subcore_parallel>], iteration_bounds = array<i64: 2, 16>, scalar_prefetch = 0 : i64, scratch_operands = 11 : i64, tpu.core_type = #tpu.core_type<sc_vector_subcore>, window_params = [{transform_indices = #map}, {transform_indices = #map}, {transform_indices = #map}, {transform_indices = #map}]} {
    %mul3A = arith.constant 2 : i32
    %mul3A_0 = arith.muli %arg1, %mul3A : i32
    %add3A = arith.addi %mul3A_0, %arg0 : i32
    %mul3A_1 = arith.constant 65536 : i32
    %mul3A_2 = arith.muli %add3A, %mul3A_1 : i32
    "tpu.region"() ({
      %run_scoped3A = tpu.sem_alloc : memref<!tpu.dma_semaphore, #tpu.memory_space<semaphore_mem>>
      tpu.enqueue_dma source(%arg4 : memref<119xf32, #tpu.memory_space<hbm>>) target(%arg6 : memref<119xf32, #tpu.memory_space<vmem>>) target_semaphore(%run_scoped3A : memref<!tpu.dma_semaphore, #tpu.memory_space<semaphore_mem>>)
      tpu.wait_dma2 semaphore(%run_scoped3A : memref<!tpu.dma_semaphore, #tpu.memory_space<semaphore_mem>>) src(%arg4 : memref<119xf32, #tpu.memory_space<hbm>>) dst(%arg6 : memref<119xf32, #tpu.memory_space<vmem>>)
      tpu.yield
    }) : () -> ()
    %add3A_3 = arith.constant 0 : i32
    %add3A_4 = arith.addi %mul3A_2, %add3A_3 : i32
    %dma_start3A = tpu.memref_slice %arg3[%add3A_4] : memref<2097152xi32, #tpu.memory_space<hbm>> -> memref<16384xi32, #tpu.memory_space<hbm>>
    %dma_start3A_5 = tpu.memref_slice %arg3[%add3A_4] : memref<2097152xi32, #tpu.memory_space<hbm>> -> memref<16384xi32, #tpu.memory_space<hbm>>
    tpu.enqueue_dma source(%dma_start3A_5 : memref<16384xi32, #tpu.memory_space<hbm>>) target(%arg7 : memref<16384xi32, #tpu.memory_space<vmem>>) target_semaphore(%arg13 : memref<!tpu.dma_semaphore, #tpu.memory_space<semaphore_mem>>)
    %dma_start3A_6 = tpu.memref_slice %arg2[%add3A_4] : memref<2097152xf32, #tpu.memory_space<hbm>> -> memref<16384xf32, #tpu.memory_space<hbm>>
    %dma_start3A_7 = tpu.memref_slice %arg2[%add3A_4] : memref<2097152xf32, #tpu.memory_space<hbm>> -> memref<16384xf32, #tpu.memory_space<hbm>>
    tpu.enqueue_dma source(%dma_start3A_7 : memref<16384xf32, #tpu.memory_space<hbm>>) target(%arg9 : memref<16384xf32, #tpu.memory_space<vmem>>) target_semaphore(%arg13 : memref<!tpu.dma_semaphore, #tpu.memory_space<semaphore_mem>>)
    %add3A_8 = arith.constant 16384 : i32
    %add3A_9 = arith.addi %mul3A_2, %add3A_8 : i32
    %dma_start3A_10 = tpu.memref_slice %arg3[%add3A_9] : memref<2097152xi32, #tpu.memory_space<hbm>> -> memref<16384xi32, #tpu.memory_space<hbm>>
    %dma_start3A_11 = tpu.memref_slice %arg3[%add3A_9] : memref<2097152xi32, #tpu.memory_space<hbm>> -> memref<16384xi32, #tpu.memory_space<hbm>>
    tpu.enqueue_dma source(%dma_start3A_11 : memref<16384xi32, #tpu.memory_space<hbm>>) target(%arg8 : memref<16384xi32, #tpu.memory_space<vmem>>) target_semaphore(%arg14 : memref<!tpu.dma_semaphore, #tpu.memory_space<semaphore_mem>>)
    %dma_start3A_12 = tpu.memref_slice %arg2[%add3A_9] : memref<2097152xf32, #tpu.memory_space<hbm>> -> memref<16384xf32, #tpu.memory_space<hbm>>
    %dma_start3A_13 = tpu.memref_slice %arg2[%add3A_9] : memref<2097152xf32, #tpu.memory_space<hbm>> -> memref<16384xf32, #tpu.memory_space<hbm>>
    tpu.enqueue_dma source(%dma_start3A_13 : memref<16384xf32, #tpu.memory_space<hbm>>) target(%arg10 : memref<16384xf32, #tpu.memory_space<vmem>>) target_semaphore(%arg14 : memref<!tpu.dma_semaphore, #tpu.memory_space<semaphore_mem>>)
    %scan3A = arith.constant 0 : i32
    %scan3A_14 = arith.constant 0 : i32
    %scan3A_15 = arith.constant 2 : i32
    %scan3A_16 = arith.addi %scan3A_14, %scan3A_15 : i32
    %scan3A_17 = arith.constant 1 : i32
    scf.for %scan3A_26 = %scan3A_14 to %scan3A_16 step %scan3A_17  : i32 {
      %mul3A_27 = arith.constant 2 : i32
      %mul3A_28 = arith.muli %scan3A_26, %mul3A_27 : i32
      %dma_wait3A_29 = arith.constant 0 : i32
      %dma_wait3A_30 = tpu.memref_slice %arg3[%dma_wait3A_29] : memref<2097152xi32, #tpu.memory_space<hbm>> -> memref<16384xi32, #tpu.memory_space<hbm>>
      %dma_wait3A_31 = arith.constant 0 : i32
      %dma_wait3A_32 = tpu.memref_slice %arg3[%dma_wait3A_31] : memref<2097152xi32, #tpu.memory_space<hbm>> -> memref<16384xi32, #tpu.memory_space<hbm>>
      tpu.wait_dma2 semaphore(%arg13 : memref<!tpu.dma_semaphore, #tpu.memory_space<semaphore_mem>>) src(%dma_wait3A_32 : memref<16384xi32, #tpu.memory_space<hbm>>) dst(%arg7 : memref<16384xi32, #tpu.memory_space<vmem>>)
      %dma_wait3A_33 = arith.constant 0 : i32
      %dma_wait3A_34 = tpu.memref_slice %arg2[%dma_wait3A_33] : memref<2097152xf32, #tpu.memory_space<hbm>> -> memref<16384xf32, #tpu.memory_space<hbm>>
      %dma_wait3A_35 = arith.constant 0 : i32
      %dma_wait3A_36 = tpu.memref_slice %arg2[%dma_wait3A_35] : memref<2097152xf32, #tpu.memory_space<hbm>> -> memref<16384xf32, #tpu.memory_space<hbm>>
      tpu.wait_dma2 semaphore(%arg13 : memref<!tpu.dma_semaphore, #tpu.memory_space<semaphore_mem>>) src(%dma_wait3A_36 : memref<16384xf32, #tpu.memory_space<hbm>>) dst(%arg9 : memref<16384xf32, #tpu.memory_space<vmem>>)
      %ge3A = arith.constant 2 : i32
      %ge3A_37 = arith.cmpi sge, %mul3A_28, %ge3A : i32
      %convert_element_type3A = arith.extui %ge3A_37 : i1 to i32
      %cond3A = arith.constant 0 : i32
      %cond3A_38 = arith.cmpi ne, %convert_element_type3A, %cond3A : i32
      scf.if %cond3A_38 {
        %dma_wait3A_82 = arith.constant 0 : i32
        %dma_wait3A_83 = tpu.memref_slice %arg5[%dma_wait3A_82] : memref<2097152xf32, #tpu.memory_space<hbm>> -> memref<16384xf32, #tpu.memory_space<hbm>>
        %dma_wait3A_84 = arith.constant 0 : i32
        %dma_wait3A_85 = tpu.memref_slice %arg5[%dma_wait3A_84] : memref<2097152xf32, #tpu.memory_space<hbm>> -> memref<16384xf32, #tpu.memory_space<hbm>>
        tpu.wait_dma2 semaphore(%arg15 : memref<!tpu.dma_semaphore, #tpu.memory_space<semaphore_mem>>) src(%arg11 : memref<16384xf32, #tpu.memory_space<vmem>>) dst(%dma_wait3A_85 : memref<16384xf32, #tpu.memory_space<hbm>>)
      } else {
      }
      %parallel_loop3A = arith.constant 0 : i32
      %parallel_loop3A_39 = arith.constant 16384 : i32
      %parallel_loop3A_40 = arith.constant 16 : i32
      scf.for %parallel_loop3A_82 = %parallel_loop3A to %parallel_loop3A_39 step %parallel_loop3A_40  : i32 {
        %parallel_loop3A_83 = arith.index_cast %parallel_loop3A_82 : i32 to index
        %parallel_loop3A_84 = tpu.vector_load %arg7[%parallel_loop3A_83] {strides = array<i32>} : memref<16384xi32, #tpu.memory_space<vmem>>, vector<16xi32>,
        %parallel_loop3A_85 = arith.index_cast %parallel_loop3A_82 : i32 to index
        %parallel_loop3A_86 = tpu.vector_load %arg9[%parallel_loop3A_85] {strides = array<i32>} : memref<16384xf32, #tpu.memory_space<vmem>>, vector<16xf32>,
        %parallel_loop3A_87 = tpu.vector_load_idx %arg6[%parallel_loop3A_84] : memref<119xf32, #tpu.memory_space<vmem>>[vector<16xi32>], vector<16xf32>,
        %parallel_loop3A_88 = arith.constant 1.500000e+00 : f32
        %parallel_loop3A_89 = vector.broadcast %parallel_loop3A_88 : f32 to vector<16xf32>
        %parallel_loop3A_90 = arith.mulf %parallel_loop3A_86, %parallel_loop3A_89 : vector<16xf32>
        %parallel_loop3A_91 = arith.constant 3.000000e-01 : f32
        %parallel_loop3A_92 = vector.broadcast %parallel_loop3A_91 : f32 to vector<16xf32>
        %parallel_loop3A_93 = arith.addf %parallel_loop3A_90, %parallel_loop3A_92 : vector<16xf32>
        %parallel_loop3A_94 = arith.addf %parallel_loop3A_87, %parallel_loop3A_93 : vector<16xf32>
        %parallel_loop3A_95 = arith.index_cast %parallel_loop3A_82 : i32 to index
        %parallel_loop3A_96 = tpu.vector_load %arg11[%parallel_loop3A_95] {strides = array<i32>} : memref<16384xf32, #tpu.memory_space<vmem>>, vector<16xf32>,
        tpu.vector_store %arg11[%parallel_loop3A_95], %parallel_loop3A_94 {strides = array<i32>} : memref<16384xf32, #tpu.memory_space<vmem>>, vector<16xf32>,
      } {sc.loop_unroll_factor = 4 : i64, sc.parallel_access}
      %mul3A_41 = arith.constant 16384 : i32
      %mul3A_42 = arith.muli %mul3A_28, %mul3A_41 : i32
      %add3A_43 = arith.addi %mul3A_2, %mul3A_42 : i32
      %dma_start3A_44 = tpu.memref_slice %arg5[%add3A_43] : memref<2097152xf32, #tpu.memory_space<hbm>> -> memref<16384xf32, #tpu.memory_space<hbm>>
      %dma_start3A_45 = tpu.memref_slice %arg5[%add3A_43] : memref<2097152xf32, #tpu.memory_space<hbm>> -> memref<16384xf32, #tpu.memory_space<hbm>>
      tpu.enqueue_dma source(%arg11 : memref<16384xf32, #tpu.memory_space<vmem>>) target(%dma_start3A_45 : memref<16384xf32, #tpu.memory_space<hbm>>) target_semaphore(%arg15 : memref<!tpu.dma_semaphore, #tpu.memory_space<semaphore_mem>>)
      %add3A_46 = arith.constant 2 : i32
      %add3A_47 = arith.addi %mul3A_28, %add3A_46 : i32
      %lt3A = arith.constant 4 : i32
      %lt3A_48 = arith.cmpi slt, %add3A_47, %lt3A : i32
      %convert_element_type3A_49 = arith.extui %lt3A_48 : i1 to i32
      %cond3A_50 = arith.constant 0 : i32
      %cond3A_51 = arith.cmpi ne, %convert_element_type3A_49, %cond3A_50 : i32
      scf.if %cond3A_51 {
        %add3A_82 = arith.constant 2 : i32
        %add3A_83 = arith.addi %mul3A_28, %add3A_82 : i32
        %mul3A_84 = arith.constant 16384 : i32
        %mul3A_85 = arith.muli %add3A_83, %mul3A_84 : i32
        %add3A_86 = arith.addi %mul3A_2, %mul3A_85 : i32
        %dma_start3A_87 = tpu.memref_slice %arg3[%add3A_86] : memref<2097152xi32, #tpu.memory_space<hbm>> -> memref<16384xi32, #tpu.memory_space<hbm>>
        %dma_start3A_88 = tpu.memref_slice %arg3[%add3A_86] : memref<2097152xi32, #tpu.memory_space<hbm>> -> memref<16384xi32, #tpu.memory_space<hbm>>
        tpu.enqueue_dma source(%dma_start3A_88 : memref<16384xi32, #tpu.memory_space<hbm>>) target(%arg7 : memref<16384xi32, #tpu.memory_space<vmem>>) target_semaphore(%arg13 : memref<!tpu.dma_semaphore, #tpu.memory_space<semaphore_mem>>)
        %dma_start3A_89 = tpu.memref_slice %arg2[%add3A_86] : memref<2097152xf32, #tpu.memory_space<hbm>> -> memref<16384xf32, #tpu.memory_space<hbm>>
        %dma_start3A_90 = tpu.memref_slice %arg2[%add3A_86] : memref<2097152xf32, #tpu.memory_space<hbm>> -> memref<16384xf32, #tpu.memory_space<hbm>>
        tpu.enqueue_dma source(%dma_start3A_90 : memref<16384xf32, #tpu.memory_space<hbm>>) target(%arg9 : memref<16384xf32, #tpu.memory_space<vmem>>) target_semaphore(%arg13 : memref<!tpu.dma_semaphore, #tpu.memory_space<semaphore_mem>>)
      } else {
      }
      %add3A_52 = arith.constant 1 : i32
      %add3A_53 = arith.addi %mul3A_28, %add3A_52 : i32
      %dma_wait3A_54 = arith.constant 0 : i32
      %dma_wait3A_55 = tpu.memref_slice %arg3[%dma_wait3A_54] : memref<2097152xi32, #tpu.memory_space<hbm>> -> memref<16384xi32, #tpu.memory_space<hbm>>
      %dma_wait3A_56 = arith.constant 0 : i32
      %dma_wait3A_57 = tpu.memref_slice %arg3[%dma_wait3A_56] : memref<2097152xi32, #tpu.memory_space<hbm>> -> memref<16384xi32, #tpu.memory_space<hbm>>
      tpu.wait_dma2 semaphore(%arg14 : memref<!tpu.dma_semaphore, #tpu.memory_space<semaphore_mem>>) src(%dma_wait3A_57 : memref<16384xi32, #tpu.memory_space<hbm>>) dst(%arg8 : memref<16384xi32, #tpu.memory_space<vmem>>)
      %dma_wait3A_58 = arith.constant 0 : i32
      %dma_wait3A_59 = tpu.memref_slice %arg2[%dma_wait3A_58] : memref<2097152xf32, #tpu.memory_space<hbm>> -> memref<16384xf32, #tpu.memory_space<hbm>>
      %dma_wait3A_60 = arith.constant 0 : i32
      %dma_wait3A_61 = tpu.memref_slice %arg2[%dma_wait3A_60] : memref<2097152xf32, #tpu.memory_space<hbm>> -> memref<16384xf32, #tpu.memory_space<hbm>>
      tpu.wait_dma2 semaphore(%arg14 : memref<!tpu.dma_semaphore, #tpu.memory_space<semaphore_mem>>) src(%dma_wait3A_61 : memref<16384xf32, #tpu.memory_space<hbm>>) dst(%arg10 : memref<16384xf32, #tpu.memory_space<vmem>>)
      %ge3A_62 = arith.constant 2 : i32
      %ge3A_63 = arith.cmpi sge, %add3A_53, %ge3A_62 : i32
      %convert_element_type3A_64 = arith.extui %ge3A_63 : i1 to i32
      %cond3A_65 = arith.constant 0 : i32
      %cond3A_66 = arith.cmpi ne, %convert_element_type3A_64, %cond3A_65 : i32
      scf.if %cond3A_66 {
        %dma_wait3A_82 = arith.constant 0 : i32
        %dma_wait3A_83 = tpu.memref_slice %arg5[%dma_wait3A_82] : memref<2097152xf32, #tpu.memory_space<hbm>> -> memref<16384xf32, #tpu.memory_space<hbm>>
        %dma_wait3A_84 = arith.constant 0 : i32
        %dma_wait3A_85 = tpu.memref_slice %arg5[%dma_wait3A_84] : memref<2097152xf32, #tpu.memory_space<hbm>> -> memref<16384xf32, #tpu.memory_space<hbm>>
        tpu.wait_dma2 semaphore(%arg16 : memref<!tpu.dma_semaphore, #tpu.memory_space<semaphore_mem>>) src(%arg12 : memref<16384xf32, #tpu.memory_space<vmem>>) dst(%dma_wait3A_85 : memref<16384xf32, #tpu.memory_space<hbm>>)
      } else {
      }
      %parallel_loop3A_67 = arith.constant 0 : i32
      %parallel_loop3A_68 = arith.constant 16384 : i32
      %parallel_loop3A_69 = arith.constant 16 : i32
      scf.for %parallel_loop3A_82 = %parallel_loop3A_67 to %parallel_loop3A_68 step %parallel_loop3A_69  : i32 {
        %parallel_loop3A_83 = arith.index_cast %parallel_loop3A_82 : i32 to index
        %parallel_loop3A_84 = tpu.vector_load %arg8[%parallel_loop3A_83] {strides = array<i32>} : memref<16384xi32, #tpu.memory_space<vmem>>, vector<16xi32>,
        %parallel_loop3A_85 = arith.index_cast %parallel_loop3A_82 : i32 to index
        %parallel_loop3A_86 = tpu.vector_load %arg10[%parallel_loop3A_85] {strides = array<i32>} : memref<16384xf32, #tpu.memory_space<vmem>>, vector<16xf32>,
        %parallel_loop3A_87 = tpu.vector_load_idx %arg6[%parallel_loop3A_84] : memref<119xf32, #tpu.memory_space<vmem>>[vector<16xi32>], vector<16xf32>,
        %parallel_loop3A_88 = arith.constant 1.500000e+00 : f32
        %parallel_loop3A_89 = vector.broadcast %parallel_loop3A_88 : f32 to vector<16xf32>
        %parallel_loop3A_90 = arith.mulf %parallel_loop3A_86, %parallel_loop3A_89 : vector<16xf32>
        %parallel_loop3A_91 = arith.constant 3.000000e-01 : f32
        %parallel_loop3A_92 = vector.broadcast %parallel_loop3A_91 : f32 to vector<16xf32>
        %parallel_loop3A_93 = arith.addf %parallel_loop3A_90, %parallel_loop3A_92 : vector<16xf32>
        %parallel_loop3A_94 = arith.addf %parallel_loop3A_87, %parallel_loop3A_93 : vector<16xf32>
        %parallel_loop3A_95 = arith.index_cast %parallel_loop3A_82 : i32 to index
        %parallel_loop3A_96 = tpu.vector_load %arg12[%parallel_loop3A_95] {strides = array<i32>} : memref<16384xf32, #tpu.memory_space<vmem>>, vector<16xf32>,
        tpu.vector_store %arg12[%parallel_loop3A_95], %parallel_loop3A_94 {strides = array<i32>} : memref<16384xf32, #tpu.memory_space<vmem>>, vector<16xf32>,
      } {sc.loop_unroll_factor = 4 : i64, sc.parallel_access}
      %mul3A_70 = arith.constant 16384 : i32
      %mul3A_71 = arith.muli %add3A_53, %mul3A_70 : i32
      %add3A_72 = arith.addi %mul3A_2, %mul3A_71 : i32
      %dma_start3A_73 = tpu.memref_slice %arg5[%add3A_72] : memref<2097152xf32, #tpu.memory_space<hbm>> -> memref<16384xf32, #tpu.memory_space<hbm>>
      %dma_start3A_74 = tpu.memref_slice %arg5[%add3A_72] : memref<2097152xf32, #tpu.memory_space<hbm>> -> memref<16384xf32, #tpu.memory_space<hbm>>
      tpu.enqueue_dma source(%arg12 : memref<16384xf32, #tpu.memory_space<vmem>>) target(%dma_start3A_74 : memref<16384xf32, #tpu.memory_space<hbm>>) target_semaphore(%arg16 : memref<!tpu.dma_semaphore, #tpu.memory_space<semaphore_mem>>)
      %add3A_75 = arith.constant 2 : i32
      %add3A_76 = arith.addi %add3A_53, %add3A_75 : i32
      %lt3A_77 = arith.constant 4 : i32
      %lt3A_78 = arith.cmpi slt, %add3A_76, %lt3A_77 : i32
      %convert_element_type3A_79 = arith.extui %lt3A_78 : i1 to i32
      %cond3A_80 = arith.constant 0 : i32
      %cond3A_81 = arith.cmpi ne, %convert_element_type3A_79, %cond3A_80 : i32
      scf.if %cond3A_81 {
        %add3A_82 = arith.constant 2 : i32
        %add3A_83 = arith.addi %add3A_53, %add3A_82 : i32
        %mul3A_84 = arith.constant 16384 : i32
        %mul3A_85 = arith.muli %add3A_83, %mul3A_84 : i32
        %add3A_86 = arith.addi %mul3A_2, %mul3A_85 : i32
        %dma_start3A_87 = tpu.memref_slice %arg3[%add3A_86] : memref<2097152xi32, #tpu.memory_space<hbm>> -> memref<16384xi32, #tpu.memory_space<hbm>>
        %dma_start3A_88 = tpu.memref_slice %arg3[%add3A_86] : memref<2097152xi32, #tpu.memory_space<hbm>> -> memref<16384xi32, #tpu.memory_space<hbm>>
        tpu.enqueue_dma source(%dma_start3A_88 : memref<16384xi32, #tpu.memory_space<hbm>>) target(%arg8 : memref<16384xi32, #tpu.memory_space<vmem>>) target_semaphore(%arg14 : memref<!tpu.dma_semaphore, #tpu.memory_space<semaphore_mem>>)
        %dma_start3A_89 = tpu.memref_slice %arg2[%add3A_86] : memref<2097152xf32, #tpu.memory_space<hbm>> -> memref<16384xf32, #tpu.memory_space<hbm>>
        %dma_start3A_90 = tpu.memref_slice %arg2[%add3A_86] : memref<2097152xf32, #tpu.memory_space<hbm>> -> memref<16384xf32, #tpu.memory_space<hbm>>
        tpu.enqueue_dma source(%dma_start3A_90 : memref<16384xf32, #tpu.memory_space<hbm>>) target(%arg10 : memref<16384xf32, #tpu.memory_space<vmem>>) target_semaphore(%arg14 : memref<!tpu.dma_semaphore, #tpu.memory_space<semaphore_mem>>)
      } else {
      }
    }
    %scan3A_18 = arith.constant 2 : i32
    %dma_wait3A = arith.constant 0 : i32
    %dma_wait3A_19 = tpu.memref_slice %arg5[%dma_wait3A] : memref<2097152xf32, #tpu.memory_space<hbm>> -> memref<16384xf32, #tpu.memory_space<hbm>>
    %dma_wait3A_20 = arith.constant 0 : i32
    %dma_wait3A_21 = tpu.memref_slice %arg5[%dma_wait3A_20] : memref<2097152xf32, #tpu.memory_space<hbm>> -> memref<16384xf32, #tpu.memory_space<hbm>>
    tpu.wait_dma2 semaphore(%arg15 : memref<!tpu.dma_semaphore, #tpu.memory_space<semaphore_mem>>) src(%arg11 : memref<16384xf32, #tpu.memory_space<vmem>>) dst(%dma_wait3A_21 : memref<16384xf32, #tpu.memory_space<hbm>>)
    %dma_wait3A_22 = arith.constant 0 : i32
    %dma_wait3A_23 = tpu.memref_slice %arg5[%dma_wait3A_22] : memref<2097152xf32, #tpu.memory_space<hbm>> -> memref<16384xf32, #tpu.memory_space<hbm>>
    %dma_wait3A_24 = arith.constant 0 : i32
    %dma_wait3A_25 = tpu.memref_slice %arg5[%dma_wait3A_24] : memref<2097152xf32, #tpu.memory_space<hbm>> -> memref<16384xf32, #tpu.memory_space<hbm>>
    tpu.wait_dma2 semaphore(%arg16 : memref<!tpu.dma_semaphore, #tpu.memory_space<semaphore_mem>>) src(%arg12 : memref<16384xf32, #tpu.memory_space<vmem>>) dst(%dma_wait3A_25 : memref<16384xf32, #tpu.memory_space<hbm>>)
    return
  }
}

</mosaic_0001>

<sc_bundles>
// kernel: kernel.3.cloned.1.call-start
scs
__scs_entry_jumppad:
0x0: {  	(pc) =	sbr.rel $0x88, $3  }
0x1: {  	(tag) =	ssettag $0x0;
	lr =	simm.s32 $0x1  }
0x2: {  	[smem:$0x3F9E] =	sst lr;
	_ =	strace $0xD0000000  }
0x3: {  	_ = 	snop  }
0x4: {  	_ = 	snop  }
0x5: {  	_ = 	snop  }
0x6: {  	_ = 	snop  }
0x7: {  	_ = 	snop  }
__scs_overlays_trampoline_lowered:
0x8: {  	[smem:$0x3FAD] =	sst s0  }
0x9: {  	[smem:$0x3FAE] =	sst s1  }
0xa: {  	[smem:$0x3FAF] =	sst s2  }
0xb: {  	[smem:$0x3FB0] =	sst s3  }
0xc: {  	[smem:$0x3FB1] =	sst s4  }
0xd: {  	[smem:$0x3FB2] =	sst s5  }
0xe: {  	[smem:$0x3FB3] =	sst s6  }
0xf: {  	[smem:$0x3FB4] =	sst s7  }
0x10: {  	[smem:$0x3FB5] =	sst s8  }
0x11: {  	[smem:$0x3FB6] =	sst s9;
	s0 =	simm.s32 @!p0 $0x0  }
0x12: {  	s1 =	sld [smem:$0x3F9C];
	s0 =	simm.s32 @p0 $0x1  }
0x13: {  	[smem:$0x3FB7] =	sst s0;
	s0 =	simm.s32 @!p1 $0x0  }
0x14: {  	s2 =	sld [smem:$0x3F9B];
	s0 =	simm.s32 @p1 $0x1  }
0x15: {  	[smem:$0x3FB8] =	sst s0;
	s0 =	simm.s32 @!p2 $0x0  }
0x16: {  	s3 =	sld [smem:$0x3FDB];
	s0 =	simm.s32 @p2 $0x1  }
0x17: {  	s4 =	simm.s32 $0x1BF5;
	[smem:$0x3FBA] =	sst s0  }
0x18: {  	s0 =	sld [smem:$0x3F9D];
	_ =	swait.ge [sflag:s4], $0x0  }
0x19: {  	s7 =	sld [smem:$0x3F9E]  }
0x1a: {  	s8 =	sadd.s32 $0xFFFFE003, lr  }
0x1b: {  	s9 =	sadd.s32 $0xFFFFFEF7, lr;
	s5 =	simm.s32 $0xFFFFFFFF;
	p2 =	slt.u32 s8, $0xFFFFF086  }
0x1c: {  	p1 =	slt.u32 s9, $0xF7A;
	s5 =	simm.s32 @!p2 $0x0  }
0x1d: {  	s5 =	simm.s32 @p1 $0x1;
	p0 =	seq.s32 s7, s2  }
0x1e: {  	s7 =	smul.u32 @!p0 $0xF7A, s2;
	p2 =	seq.s32 @!p0 s5, $0x0  }
0x1f: {  	s9 =	smul.u32 $0xF7A, s1;
	s8 =	simm.s32 @!p0 $0x1BF5;
	p2 =	por !p2, p0  }
0x20: {  	[sflag:s8] =	ssyncset.s32 @!p0 $0xFFFFF086;
	s6 =	sadd.s32 @!p0 s3, s7;
	s7 =	simm.s32 @!p0 $0x108  }
0x21: {  	s3 =	sadd.s32 s3, s9;
	s6 =	sadd.s32 @!p0 $0x88, s6;
	s7 =	simm.s32 @p2 $0x1082  }
0x22: {  	[simem:s7], [sflag:s8] =	dma.local @!p0 [hbm:s6], $0xF7A  }
0x23: {  	s9 =	sor.u32 $0xD0000000, s2;
	s6 =	simm.s32 $0x108;
	_ =	swait.ge @!p0 [sflag:s8], $0x0  }
0x24: {  	s3 =	sadd.s32 $0x88, s3;
	s6 =	simm.s32 @!p1 $0x1082;
	[sflag:s4] =	ssyncset.s32 $0xFFFFF086  }
0x25: {  	[simem:s6], [sflag:s4] =	dma.local [hbm:s3], $0xF7A  }
0x26: {  	[smem:$0x3F9E] =	sst s1;
	(tag) =	ssettag s2;
	_ =	strace s9  }
0x27: {  	s1 =	sld [smem:$0x3FAE]  }
0x28: {  	s2 =	sld [smem:$0x3FAF]  }
0x29: {  	s4 =	sld [smem:$0x3FB1]  }
0x2a: {  	p0 =	seq.s32 s5, $0x0;
	s5 =	sld [smem:$0x3FB2]  }
0x2b: {  	s6 =	sld [smem:$0x3FB3]  }
0x2c: {  	s7 =	sld [smem:$0x3FB4]  }
0x2d: {  	s3 =	simm.s32 $0x108;
	s8 =	sld [smem:$0x3FB5]  }
0x2e: {  	s3 =	simm.s32 @!p0 $0x1082;
	s9 =	sld [smem:$0x3FB6]  }
0x2f: {  	lr =	sadd.s32 s0, s3;
	s0 =	sld [smem:$0x3FAD]  }
0x30: {  	s3 =	sld [smem:$0x3FB0]  }
0x31: {  	[smem:$0x3FB9] =	sst s10  }
0x32: {  	s10 =	sld [smem:$0x3FB7];
	_ =	sdelay $0x3  }
0x33: {  	p0 =	seq.s32 s10, $0x1;
	s10 =	sld [smem:$0x3FB9];
	_ =	sdelay $0x3  }
0x34: {  	[smem:$0x3FB9] =	sst s10  }
0x35: {  	s10 =	sld [smem:$0x3FB8];
	_ =	sdelay $0x3  }
0x36: {  	p1 =	seq.s32 s10, $0x1;
	s10 =	sld [smem:$0x3FB9];
	_ =	sdelay $0x3  }
0x37: {  	[smem:$0x3FB9] =	sst s10  }
0x38: {  	s10 =	sld [smem:$0x3FBA]  }
0x39: {  	_ = 	snop;
	(pc) =	sbr.ind lr, $3  }
0x3a: {  	_ = 	snop  }
0x3b: {  	_ = 	snop  }
0x3c: {  	p2 =	seq.s32 s10, $0x1;
	s10 =	sld [smem:$0x3FB9]  }
0x3d: {  	_ =	shalt  }
0x3e: {  	_ =	shalt  }
0x3f: {  	_ =	shalt  }
0x40: {  	_ =	shalt  }
0x41: {  	_ =	shalt  }
0x42: {  	_ =	shalt  }
0x43: {  	_ =	shalt  }
0x44: {  	_ =	shalt  }
0x45: {  	_ =	shalt  }
0x46: {  	_ =	shalt  }
0x47: {  	_ =	shalt  }
0x48: {  	_ =	shalt  }
0x49: {  	_ =	shalt  }
0x4a: {  	_ =	shalt  }
0x4b: {  	_ =	shalt  }
0x4c: {  	_ =	shalt  }
0x4d: {  	_ =	shalt  }
0x4e: {  	_ =	shalt  }
0x4f: {  	_ =	shalt  }
0x50: {  	_ =	shalt  }
0x51: {  	_ =	shalt  }
0x52: {  	_ =	shalt  }
0x53: {  	_ =	shalt  }
0x54: {  	_ =	shalt  }
0x55: {  	_ =	shalt  }
0x56: {  	_ =	shalt  }
0x57: {  	_ =	shalt  }
0x58: {  	_ =	shalt  }
0x59: {  	_ =	shalt  }
0x5a: {  	_ =	shalt  }
0x5b: {  	_ =	shalt  }
0x5c: {  	_ =	shalt  }
0x5d: {  	_ =	shalt  }
0x5e: {  	_ =	shalt  }
0x5f: {  	_ =	shalt  }
0x60: {  	_ =	shalt  }
0x61: {  	_ =	shalt  }
0x62: {  	_ =	shalt  }
0x63: {  	_ =	shalt  }
0x64: {  	_ =	shalt  }
0x65: {  	_ =	shalt  }
0x66: {  	_ =	shalt  }
0x67: {  	_ =	shalt  }
0x68: {  	_ =	shalt  }
0x69: {  	_ =	shalt  }
0x6a: {  	_ =	shalt  }
0x6b: {  	_ =	shalt  }
0x6c: {  	_ =	shalt  }
0x6d: {  	_ =	shalt  }
0x6e: {  	_ =	shalt  }
0x6f: {  	_ =	shalt  }
0x70: {  	_ =	shalt  }
0x71: {  	_ =	shalt  }
0x72: {  	_ =	shalt  }
0x73: {  	_ =	shalt  }
0x74: {  	_ =	shalt  }
0x75: {  	_ =	shalt  }
0x76: {  	_ =	shalt  }
0x77: {  	_ =	shalt  }
0x78: {  	_ =	shalt  }
0x79: {  	_ =	shalt  }
0x7a: {  	_ =	shalt  }
0x7b: {  	_ =	shalt  }
0x7c: {  	_ =	shalt  }
0x7d: {  	_ =	shalt  }
0x7e: {  	_ =	shalt  }
0x7f: {  	_ =	shalt  }
0x80: {  	_ =	shalt  }
0x81: {  	_ =	shalt  }
0x82: {  	_ =	shalt  }
0x83: {  	_ =	shalt  }
0x84: {  	_ =	shalt  }
0x85: {  	_ =	shalt  }
0x86: {  	_ =	shalt  }
0x87: {  	_ =	shalt  }
.Lfunc_end0:
.L_simem_size_0:
called_computation_lowered:
.L_overlay_start_0:
0x88: {  	s2 =	sld [smem:$0x3FD9]  }
0x89: {  	s3 =	sld [smem:$0x3FFE];
	_ =	sdelay $0x1  }
0x8a: {  	s1 =	srdreg.scid  }
0x8b: {  	s0 =	sand.u32 $0x1, s1  }
0x8c: {  	s18 =	sshll.u32 s0, $0xA;
	s2 =	sadd.s32 s3, s2  }
0x8d: {  	s2 =	sadd.s32 s2, s18  }
0x8e: {  	[smem:$0x3FC5] =	sst s2  }
0x8f: {  	_ = 	snop  }
0x90: {  	s2 =	sld [smem:$0x3FC9]  }
0x91: {  	s19 =	sld [smem:$0x3FC8]  }
0x92: {  	s4 =	sld [smem:$0x3FC7]  }
0x93: {  	s5 =	sld [smem:$0x3FD0];
	(tm) =	ssettm $0x1  }
0x94: {  	s6 =	sld [smem:$0x3FFB];
	_ =	sdelay $0x3  }
0x95: {  	_ =	strace s6  }
0x96: {  	s6 =	sld [smem:$0x3FFC];
	_ =	sdelay $0x3  }
0x97: {  	_ =	strace s6  }
0x98: {  	s6 =	sld [smem:$0x3FFD];
	_ =	sdelay $0x3  }
0x99: {  	_ =	strace s6  }
0x9a: {  	_ =	strace $0x8FFFFFFF  }
0x9b: {  	s20 =	sld [smem:$0x3FDB];
	_ =	sdelay $0x1  }
0x9c: {  	s7 =	simm.s32 $_scs_section_size  }
0x9d: {  	s8 =	simm.s32 $_size__tile_overlayer_lowered;
	s9 =	simm.s32 $_tile_overlayer_lowered  }
0x9e: {  	s23 =	simm.s32 $0x1BFF;
	s22 =	sshll.u32 s9, $0x1;
	s6 =	sadd.s32 s7, s20  }
0x9f: {  	s10 =	simm.s32 $0x0;
	s21 =	sshll.u32 s8, $0x1;
	s8 =	sadd.s32 s22, s6  }
0xa0: {  	[timem:s10], [sflag:s23] =	dma.local [hbm:s8], s21  }
0xa1: {  	_ =	swait.ge [sflag:s23], s21  }
0xa2: {  	s7 =	ssub.s32 $0x0, s21;
	[sflag:s23] =	ssyncset.done $0x0  }
0xa3: {  	[sflag:s23] =	ssyncadd.s32 s7;
	_ =	sdelay $0x1  }
0xa4: {  	s24 =	simm.s32 $0x1B8B  }
0xa5: {  	_ =	swait.ge [sflag:s24], $0x1  }
0xa6: {  	[sflag:s24] =	ssyncset.done $0x0  }
0xa7: {  	s25 =	simm.s32 $0x1B8E;
	[sflag:s24] =	ssyncadd.s32 $0xFFFFFFFF  }
0xa8: {  	s26 =	simm.s32 $execute0_lowered;
	[smem:$0x3FD2] =	sst s25  }
0xa9: {  	s7 =	sshll.u32 s26, $0x1;
	_ =	strace $0x80000046;
	[dreg:$0x1] =	wrdreg $0xFFFFFFFF  }
0xaa: {  	s28 =	simm.s32 $_size_execute0_lowered;
	s6 =	sadd.s32 s6, s7;
	[dreg:$0x0] =	wrdreg $0x0  }
0xab: {  	s7 =	sshll.u32 s28, $0x1;
	[dreg:$0x2] =	wrdreg s6  }
0xac: {  	[dreg:$0x3] =	wrdreg s7  }
0xad: {  	[dreg:$0x4] =	wrdreg $0xC0  }
0xae: {  	_ =	task [dreg:s10], $0x5FFFF  }
0xaf: {  	[dreg:$0x1] =	wrdreg $0xFFFFFFFF  }
0xb0: {  	[dreg:$0x0] =	wrdreg $0x60  }
0xb1: {  	[dreg:$0x2] =	wrdreg s2  }
0xb2: {  	[dreg:$0x3] =	wrdreg s19  }
0xb3: {  	[dreg:$0x4] =	wrdreg s4  }
0xb4: {  	[dreg:$0x5] =	wrdreg s5  }
0xb5: {  	[dreg:$0x6] =	wrdreg $0x9  }
0xb6: {  	_ =	task.clear_ibuf [dreg:s10], $0x7FFFF;
	_ =	strace $0x90000046  }
0xb7: {  	s29 =	simm.s32 $0x9;
	_ =	strace $0x80000048  }
0xb8: {  	_ =	swait.ge [sflag:s29], $0x1  }
0xb9: {  	[sflag:s29] =	ssyncadd.s32 $0xFFFFFFFF  }
0xba: {  	_ =	strace $0x90000048  }
0xbb: {  	_ =	sfence  }
0xbc: {  	s30 =	sld [smem:$0x0];
	_ =	sdelay $0x2  }
0xbd: {  	s31 =	sshll.u32 s1, $0xD;
	s1 =	sshrl.u32 s1, $0x2  }
0xbe: {  	s3 =	sand.u32 $0x4000, s31;
	s1 =	sadd.s32 s1, s30  }
0xbf: {  	s0 =	sor.u32 s3, s0;
	s1 =	sshll.u32 s1, $0x11  }
0xc0: {  	s0 =	sor.u32 s1, s0  }
0xc1: {  	s0 =	sadd.s32 $0x8F2B, s0  }
0xc2: {  	[sflag:s0] =	ssyncadd.remote.s32 $0x1  }
0xc3: {  	_ =	sfence.sel $0xFFFF  }
0xc4: {  	[dreg:$0x0] =	wrdreg $0xFFFFFFFF;
	(pc) =	sbr.abs _section_cstart, $3  }
0xc5: {  	[dreg:$0x1] =	wrdreg $0xFFFFFFFF  }
0xc6: {  	_ =	task.clear_ibuf [dreg:s10], $0x2FFFF;
	_ =	strace $0x9FFFFFFF  }
0xc7: {  	(tm) =	ssettm $0x7FFFFFFF  }
tec
execute0_lowered:
.L_overlay_start_1:
0x0: {  	(tag) =	ssettag $0x1  }
0x1: {  	s1 =	rddreg [dreg:$0x0]  }
0x2: {  	s2 =	rddreg [dreg:$0x1]  }
0x3: {  	s4 =	rddreg [dreg:$0x2]  }
0x4: {  	s5 =	rddreg [dreg:$0x3]  }
0x5: {  	s0 =	srdreg.scid;
	s3 =	stileid.u32;
	s6 =	simm.s32 $0x0  }
0x6: {  	s15 =	simm.s32 $0x5;
	s16 =	simm.s32 $0x80;
	s17 =	simm.s32 $0x8080  }
0x7: {  	s18 =	simm.s32 $0x4080;
	s19 =	simm.s32 $0xC080;
	s20 =	simm.s32 $0x1  }
0x8: {  	s21 =	simm.s32 $0x10080;
	s22 =	simm.s32 $0x2;
	s23 =	simm.s32 $0x14080  }
0x9: {  	s24 =	simm.s32 $0x3;
	s25 =	simm.s32 $0x4;
	s0 =	sand.u32 $0x1, s0  }
0xa: {  	s26 =	simm.s32 $0x0;
	s7 =	sshll.u32 s3, $0x11;
	s8 =	sshll.u32 s0, $0x10  }
0xb: {  	[smem:$0x7FF] =	sst s6;
	s0 =	ssub.s32 $0x2, s0;
	s7 =	sor.u32 s8, s7  }
0xc: {  	_ =	strace $0x80000047;
	s31 =	sshrl.u32 s0, $0x1;
	s13 =	sshrl.u32 s7, $0x3  }
0xd: {  	s0 =	ssub.s32 s0, s31;
	s8 =	sadd.s32 s2, s13;
	s12 =	sor.u32 $0x1000, s13  }
0xe: {  	s9 =	sadd.s32 s1, s13;
	s10 =	sor.u32 $0x800, s13;
	s13 =	sor.u32 $0x1800, s13  }
0xf: {  	s14 =	smax.u32 s0, $0x1;
	s11 =	sadd.s32 s2, s12;
	s12 =	sadd.s32 s1, s12  }
.LBB2_1:
0x10: {  	[tilespmem:s6], [sflag:$0x5] =	stream.linear.gather [hbm4b:s4+s6], $0x80, $0x38;
	[tilespmem:$0x18080] =	vst v63  }
0x11: {  	_ =	swait.ge [sflag:s15], $0x80  }
0x12: {  	[sflag:s15] =	ssyncset.done $0x0  }
0x13: {  	[sflag:s15] =	ssyncadd.s32 $0xFFFFFF80  }
0x14: {  	[tilespmem:s16], [sflag:$0x1] =	stream.linear.gather [hbm4b:s8+s6], $0x4000, $0x38;
	[tilespmem:$0x18080] =	vst v63  }
0x15: {  	p1 =	por $0x1, $0x1;
	s0 =	smov.u32 s10;
	s28 =	simm.s32 $0x0  }
0x16: {  	[tilespmem:s17], [sflag:$0x1] =	stream.linear.gather [hbm4b:s9+s6], $0x4000, $0x38;
	[tilespmem:$0x18080] =	vst v63  }
.LBB2_2:
0x17: {  	s29 =	sadd.s32 s2, s0  }
0x18: {  	[tilespmem:s18], [sflag:$0x2] =	stream.linear.gather [hbm4b:s29+s6], $0x4000, $0x38;
	[tilespmem:$0x18080] =	vst v63  }
0x19: {  	s0 =	sadd.s32 s1, s0  }
0x1a: {  	[tilespmem:s19], [sflag:$0x2] =	stream.linear.gather [hbm4b:s0+s6], $0x4000, $0x38;
	[tilespmem:$0x18080] =	vst v63  }
0x1b: {  	_ =	swait.ge [sflag:s20], $0x4000  }
0x1c: {  	[sflag:s20] =	ssyncset.done $0x0  }
0x1d: {  	[sflag:s20] =	ssyncadd.s32 $0xFFFFC000  }
0x1e: {  	_ =	swait.ge [sflag:s20], $0x4000  }
0x1f: {  	[sflag:s20] =	ssyncset.done $0x0  }
0x20: {  	s0 =	simm.s32 @!p1 $0x3;
	[sflag:s20] =	ssyncadd.s32 $0xFFFFC000  }
0x21: {  	_ =	swait.ge @!p1 [sflag:s0], $0x4000  }
0x22: {  	[sflag:s0] =	ssyncset.done @!p1 $0x0  }
0x23: {  	[sflag:s0] =	ssyncadd.s32 @!p1 $0xFFFFC000;
	s0 =	simm.s32 $0xA0  }
0x24: {  	v0 =	vld [tilespmem:s0+$0x10]  }
0x25: {  	v1 =	vld [tilespmem:s0+$0xFFFFFFF0]  }
0x26: {  	v2 =	vld [tilespmem:s0+$0xFFFFFFE0]  }
0x27: {  	s29 =	simm.s32 $0x80A0;
	v3 =	vld [tilespmem:s0+$0x0]  }
0x28: {  	v4 =	vld [tilespmem:s29+$0x10]  }
0x29: {  	v5 =	vld [tilespmem:s29+$0xFFFFFFE0]  }
0x2a: {  	v6 =	vld [tilespmem:s29+$0xFFFFFFF0]  }
0x2b: {  	v8 =	vld [tilespmem:s29+$0x0];
	s0 =	simm.s32 $0xE0  }
0x2c: {  	v9 =	vld [tilespmem:s0+$0x10]  }
0x2d: {  	v10 =	vld [tilespmem:s0+$0xFFFFFFF0]  }
0x2e: {  	s29 =	simm.s32 $0x80E0;
	v11 =	vld [tilespmem:s0+$0xFFFFFFE0]  }
0x2f: {  	v13 =	vld [tilespmem:s29+$0x10]  }
0x30: {  	v14 =	vld [tilespmem:s29+$0xFFFFFFE0]  }
0x31: {  	v7 =	vld.idx.msk [tilespmem:v0+s6+$0x0], $0xffff  }
0x32: {  	v4 =	vmul.f32 $1.500000000e+00, v4;
	v1 =	vld.idx.msk [tilespmem:v1+s6+$0x0], $0xffff  }
0x33: {  	v6 =	vmul.f32 $1.500000000e+00, v6;
	v2 =	vld.idx.msk [tilespmem:v2+s6+$0x0], $0xffff  }
0x34: {  	v4 =	vadd.f32 $3.000000120e-01, v4;
	v12 =	vld.idx.msk [tilespmem:v3+s6+$0x0], $0xffff;
	v3 =	vmul.f32 $1.500000000e+00, v5  }
0x35: {  	v8 =	vmul.f32 $1.500000000e+00, v8;
	v6 =	vadd.f32 $3.000000120e-01, v6;
	v0 =	vld [tilespmem:s0+$0x0]  }
0x36: {  	v5 =	vld [tilespmem:s29+$0xFFFFFFF0];
	v3 =	vadd.f32 $3.000000120e-01, v3;
	v4 =	vadd.f32 v4, v7  }
0x37: {  	s30 =	simm.s32 $0x100A0;
	v6 =	vadd.f32 v6, v1;
	v1 =	vld.idx.msk [tilespmem:v9+s6+$0x0], $0xffff;
	v7 =	vadd.f32 $3.000000120e-01, v8  }
0x38: {  	v2 =	vadd.f32 v3, v2;
	[tilespmem:s30+$0x10] =	vst v4;
	v4 =	vld [tilespmem:s29+$0x0]  }
0x39: {  	v3 =	vld.idx.msk [tilespmem:v10+s6+$0x0], $0xffff;
	v8 =	vmul.f32 $1.500000000e+00, v13;
	[tilespmem:s30+$0xFFFFFFF0] =	vst v6;
	v6 =	vadd.f32 v7, v12  }
0x3a: {  	p0 =	por p1, p1;
	s31 =	simm.s32 $0x40;
	s0 =	simm.s32 $0x120;
	[tilespmem:s30+$0xFFFFFFE0] =	vst v2;
	v2 =	vld.idx.msk [tilespmem:v11+s6+$0x0], $0xffff;
	v7 =	vmul.f32 $1.500000000e+00, v14  }
.LBB2_3:
0x3b: {  	v9 =	vld [tilespmem:s0+$0x10];
	s31 =	sadd.s32 $0x40, s31;
	v5 =	vmul.f32 $1.500000000e+00, v5;
	v8 =	vadd.f32 $3.000000120e-01, v8;
	[tilespmem:s30+$0x0] =	vst v6  }
0x3c: {  	v6 =	vld [tilespmem:s0+$0xFFFFFFF0];
	p1 =	slt.u32 s31, $0x3FC0;
	v7 =	vadd.f32 $3.000000120e-01, v7  }
0x3d: {  	v10 =	vld [tilespmem:s0+$0x0];
	v5 =	vadd.f32 $3.000000120e-01, v5;
	v4 =	vmul.f32 $1.500000000e+00, v4;
	v1 =	vadd.f32 v8, v1  }
0x3e: {  	s30 =	sadd.s32 $0x40, s30;
	v11 =	vld [tilespmem:s0+$0xFFFFFFE0]  }
0x3f: {  	s29 =	sadd.s32 $0x40, s29;
	v3 =	vadd.f32 v5, v3;
	v12 =	vld.idx.msk [tilespmem:v0+s6+$0x0], $0xffff;
	v13 =	vadd.f32 $3.000000120e-01, v4;
	[tilespmem:s30+$0x10] =	vst v1  }
0x40: {  	v1 =	vadd.f32 v7, v2;
	v8 =	vld [tilespmem:s29+$0x10]  }
0x41: {  	v7 =	vld [tilespmem:s29+$0xFFFFFFE0];
	[tilespmem:s30+$0xFFFFFFF0] =	vst v3  }
.Ltmp0:
0x42: {  	v5 =	vld [tilespmem:s29+$0xFFFFFFF0];
	[tilespmem:s30+$0xFFFFFFE0] =	vst v1;
	v0 =	vmov v10;
	(pc) =	sbr.rel @p1 .LBB2_3-.Ltmp0, $4  }
0x43: {  	v1 =	vld.idx.msk [tilespmem:v9+s6+$0x0], $0xffff  }
0x44: {  	v4 =	vld [tilespmem:s29+$0x0]  }
0x45: {  	v3 =	vld.idx.msk [tilespmem:v6+s6+$0x0], $0xffff;
	v8 =	vmul.f32 $1.500000000e+00, v8;
	v6 =	vadd.f32 v13, v12  }
0x46: {  	s0 =	sadd.s32 $0x40, s0;
	v2 =	vld.idx.msk [tilespmem:v11+s6+$0x0], $0xffff;
	v7 =	vmul.f32 $1.500000000e+00, v7  }
0x47: {  	_ =	sdelay $0x2  }
0x48: {  	v5 =	vmul.f32 $1.500000000e+00, v5  }
0x49: {  	v8 =	vadd.f32 $3.000000120e-01, v8;
	v0 =	vld.idx.msk [tilespmem:v0+s6+$0x0], $0xffff  }
0x4a: {  	v5 =	vadd.f32 $3.000000120e-01, v5;
	v4 =	vmul.f32 $1.500000000e+00, v4  }
0x4b: {  	v7 =	vadd.f32 $3.000000120e-01, v7;
	v1 =	vadd.f32 v8, v1  }
0x4c: {  	[tilespmem:s30+$0x0] =	vst v6;
	s0 =	sadd.s32 $0x40, s30;
	v3 =	vadd.f32 v5, v3;
	v4 =	vadd.f32 $3.000000120e-01, v4  }
0x4d: {  	[tilespmem:s0+$0x10] =	vst v1;
	v1 =	vadd.f32 v7, v2  }
0x4e: {  	s28 =	sor.u32 s7, s28;
	[tilespmem:s0+$0xFFFFFFF0] =	vst v3;
	v0 =	vadd.f32 v4, v0  }
0x4f: {  	s28 =	sshrl.u32 s28, $0x3;
	[tilespmem:s0+$0xFFFFFFE0] =	vst v1  }
0x50: {  	[tilespmem:s0+$0x0] =	vst v0;
	s0 =	sadd.s32 s5, s28  }
0x51: {  	[hbm4b:s0+s6] =	stream.linear.scatter [tilespmem:s21], [sflag:$0x3], $0x4000, $0x38;
	[tilespmem:$0x18080] =	vst v63  }
0x52: {  	s0 =	simm.s32 @!p0 $0x2  }
0x53: {  	_ =	swait.ge @!p0 [sflag:s0], $0x4000  }
0x54: {  	[sflag:s0] =	ssyncset.done @!p0 $0x0  }
0x55: {  	s29 =	simm.s32 @p0 $0x80;
	[sflag:s0] =	ssyncadd.s32 @!p0 $0xFFFFC000;
	s0 =	simm.s32 @p0 $0x0  }
0x56: {  	[tilespmem:s29], [sflag:$0x1] =	stream.linear.gather @p0 [hbm4b:s11+s0], $0x4000, $0x38;
	[tilespmem:$0x18080] =	vst v63  }
0x57: {  	s29 =	simm.s32 @p0 $0x8080  }
0x58: {  	[tilespmem:s29], [sflag:$0x1] =	stream.linear.gather @p0 [hbm4b:s12+s0], $0x4000, $0x38;
	[tilespmem:$0x18080] =	vst v63  }
0x59: {  	_ =	swait.ge [sflag:s22], $0x4000  }
0x5a: {  	s0 =	simm.s32 @!p0 $0x4;
	[sflag:s22] =	ssyncset.done $0x0  }
0x5b: {  	s0 =	simm.s32 @p0 $0x2;
	[sflag:s22] =	ssyncadd.s32 $0xFFFFC000  }
0x5c: {  	_ =	swait.ge [sflag:s0], $0x4000  }
0x5d: {  	[sflag:s0] =	ssyncset.done $0x0  }
0x5e: {  	[sflag:s0] =	ssyncadd.s32 $0xFFFFC000;
	s0 =	simm.s32 $0x40A0  }
0x5f: {  	v0 =	vld [tilespmem:s0+$0x10]  }
0x60: {  	v1 =	vld [tilespmem:s0+$0xFFFFFFF0]  }
0x61: {  	v2 =	vld [tilespmem:s0+$0xFFFFFFE0]  }
0x62: {  	s29 =	simm.s32 $0xC0A0;
	v3 =	vld [tilespmem:s0+$0x0]  }
0x63: {  	v4 =	vld [tilespmem:s29+$0x10]  }
0x64: {  	v5 =	vld [tilespmem:s29+$0xFFFFFFE0]  }
0x65: {  	v6 =	vld [tilespmem:s29+$0xFFFFFFF0]  }
0x66: {  	v8 =	vld [tilespmem:s29+$0x0];
	s0 =	simm.s32 $0x40E0  }
0x67: {  	v9 =	vld [tilespmem:s0+$0x10]  }
0x68: {  	v10 =	vld [tilespmem:s0+$0xFFFFFFF0]  }
0x69: {  	s29 =	simm.s32 $0xC0E0;
	v11 =	vld [tilespmem:s0+$0xFFFFFFE0]  }
0x6a: {  	v13 =	vld [tilespmem:s29+$0x10]  }
0x6b: {  	v14 =	vld [tilespmem:s29+$0xFFFFFFE0]  }
0x6c: {  	v7 =	vld.idx.msk [tilespmem:v0+s6+$0x0], $0xffff  }
0x6d: {  	v4 =	vmul.f32 $1.500000000e+00, v4;
	v1 =	vld.idx.msk [tilespmem:v1+s6+$0x0], $0xffff  }
0x6e: {  	v6 =	vmul.f32 $1.500000000e+00, v6;
	v2 =	vld.idx.msk [tilespmem:v2+s6+$0x0], $0xffff  }
0x6f: {  	v4 =	vadd.f32 $3.000000120e-01, v4;
	v12 =	vld.idx.msk [tilespmem:v3+s6+$0x0], $0xffff;
	v3 =	vmul.f32 $1.500000000e+00, v5  }
0x70: {  	v8 =	vmul.f32 $1.500000000e+00, v8;
	v6 =	vadd.f32 $3.000000120e-01, v6;
	v0 =	vld [tilespmem:s0+$0x0]  }
0x71: {  	v5 =	vld [tilespmem:s29+$0xFFFFFFF0];
	v3 =	vadd.f32 $3.000000120e-01, v3;
	v4 =	vadd.f32 v4, v7  }
0x72: {  	s30 =	simm.s32 $0x140A0;
	v6 =	vadd.f32 v6, v1;
	v1 =	vld.idx.msk [tilespmem:v9+s6+$0x0], $0xffff;
	v7 =	vadd.f32 $3.000000120e-01, v8  }
0x73: {  	v2 =	vadd.f32 v3, v2;
	[tilespmem:s30+$0x10] =	vst v4;
	v4 =	vld [tilespmem:s29+$0x0]  }
0x74: {  	v3 =	vld.idx.msk [tilespmem:v10+s6+$0x0], $0xffff;
	v8 =	vmul.f32 $1.500000000e+00, v13;
	[tilespmem:s30+$0xFFFFFFF0] =	vst v6;
	v6 =	vadd.f32 v7, v12  }
0x75: {  	s31 =	simm.s32 $0x40;
	s0 =	simm.s32 $0x4120;
	[tilespmem:s30+$0xFFFFFFE0] =	vst v2;
	v2 =	vld.idx.msk [tilespmem:v11+s6+$0x0], $0xffff;
	v7 =	vmul.f32 $1.500000000e+00, v14  }
.LBB2_5:
0x76: {  	v9 =	vld [tilespmem:s0+$0x10];
	s31 =	sadd.s32 $0x40, s31;
	v5 =	vmul.f32 $1.500000000e+00, v5;
	v8 =	vadd.f32 $3.000000120e-01, v8;
	[tilespmem:s30+$0x0] =	vst v6  }
0x77: {  	v6 =	vld [tilespmem:s0+$0xFFFFFFF0];
	p1 =	slt.u32 s31, $0x3FC0;
	v7 =	vadd.f32 $3.000000120e-01, v7  }
0x78: {  	v10 =	vld [tilespmem:s0+$0x0];
	v5 =	vadd.f32 $3.000000120e-01, v5;
	v4 =	vmul.f32 $1.500000000e+00, v4;
	v1 =	vadd.f32 v8, v1  }
0x79: {  	s30 =	sadd.s32 $0x40, s30;
	v11 =	vld [tilespmem:s0+$0xFFFFFFE0]  }
0x7a: {  	s29 =	sadd.s32 $0x40, s29;
	v3 =	vadd.f32 v5, v3;
	v12 =	vld.idx.msk [tilespmem:v0+s6+$0x0], $0xffff;
	v13 =	vadd.f32 $3.000000120e-01, v4;
	[tilespmem:s30+$0x10] =	vst v1  }
0x7b: {  	v1 =	vadd.f32 v7, v2;
	v8 =	vld [tilespmem:s29+$0x10]  }
0x7c: {  	v7 =	vld [tilespmem:s29+$0xFFFFFFE0];
	[tilespmem:s30+$0xFFFFFFF0] =	vst v3  }
.Ltmp1:
0x7d: {  	v5 =	vld [tilespmem:s29+$0xFFFFFFF0];
	[tilespmem:s30+$0xFFFFFFE0] =	vst v1;
	v0 =	vmov v10;
	(pc) =	sbr.rel @p1 .LBB2_5-.Ltmp1, $4  }
0x7e: {  	v1 =	vld.idx.msk [tilespmem:v9+s6+$0x0], $0xffff  }
0x7f: {  	v4 =	vld [tilespmem:s29+$0x0]  }
0x80: {  	v3 =	vld.idx.msk [tilespmem:v6+s6+$0x0], $0xffff;
	v8 =	vmul.f32 $1.500000000e+00, v8;
	v6 =	vadd.f32 v13, v12  }
0x81: {  	s0 =	sadd.s32 $0x40, s0;
	v2 =	vld.idx.msk [tilespmem:v11+s6+$0x0], $0xffff;
	v7 =	vmul.f32 $1.500000000e+00, v7  }
0x82: {  	_ =	sdelay $0x2  }
0x83: {  	v5 =	vmul.f32 $1.500000000e+00, v5  }
0x84: {  	v8 =	vadd.f32 $3.000000120e-01, v8;
	v0 =	vld.idx.msk [tilespmem:v0+s6+$0x0], $0xffff  }
0x85: {  	v5 =	vadd.f32 $3.000000120e-01, v5;
	v4 =	vmul.f32 $1.500000000e+00, v4  }
0x86: {  	v7 =	vadd.f32 $3.000000120e-01, v7;
	v1 =	vadd.f32 v8, v1  }
0x87: {  	[tilespmem:s30+$0x0] =	vst v6;
	s0 =	sadd.s32 $0x40, s30;
	v3 =	vadd.f32 v5, v3;
	v4 =	vadd.f32 $3.000000120e-01, v4  }
.Ltmp2:
0x88: {  	[tilespmem:s0+$0x10] =	vst v1;
	v63 =	vadd.f32 v7, v2;
	(pc) =	sbr.rel @p0 .LBB2_2-.Ltmp2, $4  }
0x89: {  	[tilespmem:s0+$0xFFFFFFF0] =	vst v3;
	v0 =	vadd.f32 v4, v0  }
0x8a: {  	s28 =	sadd.s32 s28, s5;
	p1 =	por $0x0, $0x0;
	[tilespmem:s0+$0xFFFFFFE0] =	vst v63  }
0x8b: {  	s31 =	sadd.s32 $0x800, s28;
	s28 =	simm.s32 $0x8000;
	[tilespmem:s0+$0x0] =	vst v0;
	s0 =	smov.u32 s13  }
0x8c: {  	[hbm4b:s31+s6] =	stream.linear.scatter [tilespmem:s23], [sflag:$0x4], $0x4000, $0x38;
	[tilespmem:$0x18080] =	vst v63  }
0x8d: {  	s26 =	sadd.s32 $0x1, s26  }
0x8e: {  	_ =	swait.ge [sflag:s24], $0x4000;
	p0 =	sne.s32 s26, s14  }
.Ltmp3:
0x8f: {  	[sflag:s24] =	ssyncset.done $0x0;
	(pc) =	sbr.rel @p0 .LBB2_1-.Ltmp3, $4  }
0x90: {  	[sflag:s24] =	ssyncadd.s32 $0xFFFFC000  }
0x91: {  	_ =	swait.ge [sflag:s25], $0x4000  }
0x92: {  	[sflag:s25] =	ssyncset.done $0x0  }
0x93: {  	[sflag:s25] =	ssyncadd.s32 $0xFFFFC000  }
0x94: {  	_ =	sfence.sel $0x180000  }
0x95: {  	[bflag:$0x0] =	sbarrier.arrive $0xFFFF  }
0x96: {  	_ =	strace $0x90000047  }
0x97: {  	[bflag:$0x2] =	sbarrier.arrive $0xFFFF  }
0x98: {  	p0 =	sne.s32 s3, $0x0;
	s0 =	rddreg [dreg:$0x4]  }
0x99: {  	s0 =	sadd.s32 @!p0 $0x100000, s0  }
0x9a: {  	[sflag:s0] =	ssyncadd.tile.s32 @!p0 $0x1;
	_ =	shalt  }
.Lfunc_end2:
_tile_overlayer_lowered:
.L_overlay_start_2:
0x9b: {  	(tag) =	ssettag $0x2  }
0x9c: {  	s0 =	rddreg [dreg:$0x0];
	s2 =	stileid.u32  }
0x9d: {  	s1 =	rddreg [dreg:$0x1];
	p0 =	sne.s32 s2, $0x0  }
0x9e: {  	s3 =	rddreg [dreg:$0x2];
	[bflag:$0x3] =	sbarrier.arrive $0xFFFF;
	s2 =	simm.s32 @!p0 $0x1C05  }
0x9f: {  	[timem:s3], [sflag:s2] =	dma.local @!p0 [hbm:s0], s1  }
0xa0: {  	s0 =	simm.s32 @!p0 $0x5  }
0xa1: {  	_ =	swait.ge @!p0 [sflag:s0], s1  }
0xa2: {  	s1 =	ssub.s32 @!p0 $0x0, s1;
	[sflag:s0] =	ssyncset.done @!p0 $0x0  }
0xa3: {  	[sflag:s0] =	ssyncadd.s32 @!p0 s1  }
0xa4: {  	[bflag:$0x3] =	sbarrier.arrive $0xFFFF  }
0xa5: {  	_ =	shalt  }

</sc_bundles>
